<compile_context>
chip_gen: v7x
topology: tpu7x:2x2x1
jax: 0.10.2.dev20260603
libtpu: 0.0.44.dev20260713+nightly
codegen_flags: <defaults>
</compile_context>

<pallas_src>
import functools

import jax
import jax.numpy as jnp
from jax import lax
from jax.experimental import pallas as pl
from jax.experimental.pallas import tpu as pltpu
from jax.experimental.pallas import tpu_sc as plsc

_N = 1024
_L = 16
_NS = 16
_PER = _N // _NS
_PW = 3 * _L

_mesh = plsc.VectorSubcoreMesh(core_axis_name="c", subcore_axis_name="s")

_GATHER_DNUMS = lax.GatherDimensionNumbers(
    offset_dims=(), collapsed_slice_dims=(0,), start_index_map=(0,)
)


def _lane_perm(v, idx):
    return lax.gather(
        v,
        idx[:, None],
        _GATHER_DNUMS,
        slice_sizes=(1,),
        mode=lax.GatherScatterMode.PROMISE_IN_BOUNDS,
    )


def _lane_allsum(v):
    idx = lax.iota(jnp.int32, _L)
    for s in (1, 2, 4, 8):
        v = v + _lane_perm(v, idx ^ s)
    return v


@functools.partial(
    pl.kernel,
    mesh=_mesh,
    out_type=jax.ShapeDtypeStruct((_L,), jnp.float32),
    scratch_types=[
        pltpu.VMEM((_PER,), jnp.float32),
        pltpu.VMEM((_PER,), jnp.int32),
        pltpu.VMEM((_PW,), jnp.float32),
        pltpu.VMEM((_NS * _PW,), jnp.float32),
        pltpu.VMEM_SHARED((_NS * _PW,), jnp.float32),
        pltpu.VMEM((_L,), jnp.float32),
        pltpu.SemaphoreType.DMA,
        pltpu.SemaphoreType.DMA,
    ],
)
def _auroc_sc(
    pred_hbm, true_hbm, out_hbm, pred_v, true_v, part_v, acc_v, shared, out_v,
    sem_a, sem_b,
):
    cid = lax.axis_index("c")
    sid = lax.axis_index("s")

    @pl.when(cid == 0)
    def _():
        base = sid * _PER
        cp_a = pltpu.async_copy(pred_hbm.at[pl.ds(base, _PER)], pred_v, sem_a)
        cp_b = pltpu.async_copy(true_hbm.at[pl.ds(base, _PER)], true_v, sem_b)
        cp_a.wait()
        cp_b.wait()

        one = jnp.float32(1.0)
        zero = jnp.zeros((_L,), jnp.float32)
        sum_pos = zero
        sum_all = zero
        cnt_pos = zero
        for i in range(_PER // _L):
            x = pred_v[pl.ds(i * _L, _L)]
            t = true_v[pl.ds(i * _L, _L)]
            posf = t.astype(jnp.float32)
            p = one / (one + jnp.exp(-x))
            sum_pos = sum_pos + p * posf
            sum_all = sum_all + p
            cnt_pos = cnt_pos + posf

        part_v[pl.ds(0, _L)] = sum_pos
        part_v[pl.ds(_L, _L)] = sum_all
        part_v[pl.ds(2 * _L, _L)] = cnt_pos
        pltpu.sync_copy(part_v, shared.at[pl.ds(sid * _PW, _PW)])
        plsc.subcore_barrier()

        @pl.when(sid == 0)
        def _():
            pltpu.sync_copy(shared, acc_v)
            sp = jnp.zeros((_L,), jnp.float32)
            sa = jnp.zeros((_L,), jnp.float32)
            cp = jnp.zeros((_L,), jnp.float32)
            for r in range(_NS):
                sp = sp + acc_v[pl.ds(r * _PW, _L)]
                sa = sa + acc_v[pl.ds(r * _PW + _L, _L)]
                cp = cp + acc_v[pl.ds(r * _PW + 2 * _L, _L)]
            sp = _lane_allsum(sp)
            sn = _lane_allsum(sa) - sp
            P = _lane_allsum(cp)
            Nn = jnp.float32(_N) - P
            denom = P * Nn
            out_v[...] = (denom - Nn * sp + P * sn) / jnp.maximum(denom, one)
            pltpu.sync_copy(out_v, out_hbm)


def kernel(y_pred, y_true):
    out = _auroc_sc(y_pred.astype(jnp.float32), y_true.astype(jnp.int32))
    return out[0]

# --- scband reference (transcript-rebuilt; emitter-appended) ---
"""Pipeline reference for scband-aurocsurrogate-loss-90666759619072 (READ-ONLY COPY).

The authoritative reference and input builder live on the scoring server;
editing this copy changes nothing except your own understanding.
"""

import jax, jax.numpy as jnp
import numpy as np


def setup_inputs(seed: int = 0) -> dict:
    key = jax.random.key(seed)
    k1, k2 = jax.random.split(key)
    y_pred = jax.random.normal(k1, (1024,), dtype=jnp.float32)
    y_true = jax.random.randint(k2, (1024,), 0, 2, dtype=jnp.int64)
    return {"y_pred": y_pred, "y_true": y_true}


def reference(y_pred, y_true):
    # Faithful vectorized translation of the O(P*N) pairwise hinge loop:
    # loss = sum_{p in pos, n in neg} relu(1 - (sig(y_pred[p]) - sig(y_pred[n]))) / (P*N)
    p = jax.nn.sigmoid(y_pred)
    pos_mask = (y_true == 1).astype(p.dtype)
    neg_mask = (y_true == 0).astype(p.dtype)
    # pairwise matrix: rows = candidate positives, cols = candidate negatives
    pair = jax.nn.relu(1.0 - (p[:, None] - p[None, :]))
    weighted = pair * pos_mask[:, None] * neg_mask[None, :]
    loss_sum = jnp.sum(weighted)
    P = jnp.sum(pos_mask)
    N = jnp.sum(neg_mask)
    denom = P * N
    # torch module returns 0.0 when either set is empty
    return jnp.where(denom > 0, loss_sum / jnp.maximum(denom, 1.0), jnp.asarray(0.0, dtype=p.dtype))

if __name__ == "__main__":
    import jax
    _d = setup_inputs()
    print(jax.jit(kernel)(*tuple(_d.values())))

</pallas_src>

<mosaic_0001>
#map = affine_map<(d0, d1) -> (0)>
module attributes {stable_mosaic.version = 14 : i64} {
  func.func @_auroc_sc(%arg0: i32, %arg1: i32, %arg2: memref<1024xf32, #tpu.memory_space<hbm>>, %arg3: memref<1024xi32, #tpu.memory_space<hbm>>, %arg4: memref<16xf32, #tpu.memory_space<hbm>>, %arg5: memref<64xf32, #tpu.memory_space<vmem>>, %arg6: memref<64xi32, #tpu.memory_space<vmem>>, %arg7: memref<48xf32, #tpu.memory_space<vmem>>, %arg8: memref<768xf32, #tpu.memory_space<vmem>>, %arg9: memref<768xf32, #tpu.memory_space<vmem_shared>>, %arg10: memref<16xf32, #tpu.memory_space<vmem>>, %arg11: memref<!tpu.dma_semaphore, #tpu.memory_space<semaphore_mem>>, %arg12: memref<!tpu.dma_semaphore, #tpu.memory_space<semaphore_mem>>) attributes {dimension_semantics = [#tpu.dimension_semantics<core_parallel>, #tpu.dimension_semantics<subcore_parallel>], iteration_bounds = array<i64: 2, 16>, scalar_prefetch = 0 : i64, scratch_operands = 8 : i64, tpu.core_type = #tpu.core_type<sc_vector_subcore>, window_params = [{transform_indices = #map}, {transform_indices = #map}, {transform_indices = #map}]} {
    %eq3A = arith.constant 0 : i32
    %eq3A_0 = arith.cmpi eq, %arg0, %eq3A : i32
    %convert_element_type3A = arith.extui %eq3A_0 : i1 to i32
    %cond3A = arith.constant 0 : i32
    %cond3A_1 = arith.cmpi ne, %convert_element_type3A, %cond3A : i32
    scf.if %cond3A_1 {
      %mul3A = arith.constant 64 : i32
      %mul3A_2 = arith.muli %arg1, %mul3A : i32
      %dma_start3A = tpu.memref_slice %arg2[%mul3A_2] : memref<1024xf32, #tpu.memory_space<hbm>> -> memref<64xf32, #tpu.memory_space<hbm>>
      %dma_start3A_3 = tpu.memref_slice %arg2[%mul3A_2] : memref<1024xf32, #tpu.memory_space<hbm>> -> memref<64xf32, #tpu.memory_space<hbm>>
      tpu.enqueue_dma source(%dma_start3A_3 : memref<64xf32, #tpu.memory_space<hbm>>) target(%arg5 : memref<64xf32, #tpu.memory_space<vmem>>) target_semaphore(%arg11 : memref<!tpu.dma_semaphore, #tpu.memory_space<semaphore_mem>>)
      %dma_start3A_4 = tpu.memref_slice %arg3[%mul3A_2] : memref<1024xi32, #tpu.memory_space<hbm>> -> memref<64xi32, #tpu.memory_space<hbm>>
      %dma_start3A_5 = tpu.memref_slice %arg3[%mul3A_2] : memref<1024xi32, #tpu.memory_space<hbm>> -> memref<64xi32, #tpu.memory_space<hbm>>
      tpu.enqueue_dma source(%dma_start3A_5 : memref<64xi32, #tpu.memory_space<hbm>>) target(%arg6 : memref<64xi32, #tpu.memory_space<vmem>>) target_semaphore(%arg12 : memref<!tpu.dma_semaphore, #tpu.memory_space<semaphore_mem>>)
      %dma_wait3A = tpu.memref_slice %arg2[%mul3A_2] : memref<1024xf32, #tpu.memory_space<hbm>> -> memref<64xf32, #tpu.memory_space<hbm>>
      %dma_wait3A_6 = tpu.memref_slice %arg2[%mul3A_2] : memref<1024xf32, #tpu.memory_space<hbm>> -> memref<64xf32, #tpu.memory_space<hbm>>
      tpu.wait_dma2 semaphore(%arg11 : memref<!tpu.dma_semaphore, #tpu.memory_space<semaphore_mem>>) src(%dma_wait3A_6 : memref<64xf32, #tpu.memory_space<hbm>>) dst(%arg5 : memref<64xf32, #tpu.memory_space<vmem>>)
      %dma_wait3A_7 = tpu.memref_slice %arg3[%mul3A_2] : memref<1024xi32, #tpu.memory_space<hbm>> -> memref<64xi32, #tpu.memory_space<hbm>>
      %dma_wait3A_8 = tpu.memref_slice %arg3[%mul3A_2] : memref<1024xi32, #tpu.memory_space<hbm>> -> memref<64xi32, #tpu.memory_space<hbm>>
      tpu.wait_dma2 semaphore(%arg12 : memref<!tpu.dma_semaphore, #tpu.memory_space<semaphore_mem>>) src(%dma_wait3A_8 : memref<64xi32, #tpu.memory_space<hbm>>) dst(%arg6 : memref<64xi32, #tpu.memory_space<vmem>>)
      %broadcast_in_dim3A = arith.constant 0.000000e+00 : f32
      %broadcast_in_dim3A_9 = vector.broadcast %broadcast_in_dim3A : f32 to vector<16xf32>
      %get3A = arith.constant 0 : index
      %get3A_10 = tpu.vector_load %arg5[%get3A] {strides = array<i32>} : memref<64xf32, #tpu.memory_space<vmem>>, vector<16xf32>,
      %get3A_11 = vector.shape_cast %get3A_10 : vector<16xf32> to vector<16xf32>
      %get3A_12 = arith.constant 0 : index
      %get3A_13 = tpu.vector_load %arg6[%get3A_12] {strides = array<i32>} : memref<64xi32, #tpu.memory_space<vmem>>, vector<16xi32>,
      %get3A_14 = vector.shape_cast %get3A_13 : vector<16xi32> to vector<16xi32>
      %convert_element_type3A_15 = arith.sitofp %get3A_14 : vector<16xi32> to vector<16xf32>
      %neg3A = arith.constant 0.000000e+00 : f32
      %neg3A_16 = vector.broadcast %neg3A : f32 to vector<16xf32>
      %neg3A_17 = arith.subf %neg3A_16, %get3A_11 : vector<16xf32>
      %exp3A = math.exp %neg3A_17 : vector<16xf32>
      %add3A = arith.constant 1.000000e+00 : f32
      %add3A_18 = vector.broadcast %add3A : f32 to vector<16xf32>
      %add3A_19 = arith.addf %add3A_18, %exp3A : vector<16xf32>
      %div3A = arith.constant 1.000000e+00 : f32
      %div3A_20 = vector.broadcast %div3A : f32 to vector<16xf32>
      %div3A_21 = arith.divf %div3A_20, %add3A_19 : vector<16xf32>
      %mul3A_22 = arith.mulf %div3A_21, %convert_element_type3A_15 : vector<16xf32>
      %add3A_23 = arith.addf %broadcast_in_dim3A_9, %mul3A_22 : vector<16xf32>
      %add3A_24 = arith.addf %broadcast_in_dim3A_9, %div3A_21 : vector<16xf32>
      %add3A_25 = arith.addf %broadcast_in_dim3A_9, %convert_element_type3A_15 : vector<16xf32>
      %get3A_26 = arith.constant 16 : index
      %get3A_27 = tpu.vector_load %arg5[%get3A_26] {strides = array<i32>} : memref<64xf32, #tpu.memory_space<vmem>>, vector<16xf32>,
      %get3A_28 = vector.shape_cast %get3A_27 : vector<16xf32> to vector<16xf32>
      %get3A_29 = arith.constant 16 : index
      %get3A_30 = tpu.vector_load %arg6[%get3A_29] {strides = array<i32>} : memref<64xi32, #tpu.memory_space<vmem>>, vector<16xi32>,
      %get3A_31 = vector.shape_cast %get3A_30 : vector<16xi32> to vector<16xi32>
      %convert_element_type3A_32 = arith.sitofp %get3A_31 : vector<16xi32> to vector<16xf32>
      %neg3A_33 = arith.constant 0.000000e+00 : f32
      %neg3A_34 = vector.broadcast %neg3A_33 : f32 to vector<16xf32>
      %neg3A_35 = arith.subf %neg3A_34, %get3A_28 : vector<16xf32>
      %exp3A_36 = math.exp %neg3A_35 : vector<16xf32>
      %add3A_37 = arith.constant 1.000000e+00 : f32
      %add3A_38 = vector.broadcast %add3A_37 : f32 to vector<16xf32>
      %add3A_39 = arith.addf %add3A_38, %exp3A_36 : vector<16xf32>
      %div3A_40 = arith.constant 1.000000e+00 : f32
      %div3A_41 = vector.broadcast %div3A_40 : f32 to vector<16xf32>
      %div3A_42 = arith.divf %div3A_41, %add3A_39 : vector<16xf32>
      %mul3A_43 = arith.mulf %div3A_42, %convert_element_type3A_32 : vector<16xf32>
      %add3A_44 = arith.addf %add3A_23, %mul3A_43 : vector<16xf32>
      %add3A_45 = arith.addf %add3A_24, %div3A_42 : vector<16xf32>
      %add3A_46 = arith.addf %add3A_25, %convert_element_type3A_32 : vector<16xf32>
      %get3A_47 = arith.constant 32 : index
      %get3A_48 = tpu.vector_load %arg5[%get3A_47] {strides = array<i32>} : memref<64xf32, #tpu.memory_space<vmem>>, vector<16xf32>,
      %get3A_49 = vector.shape_cast %get3A_48 : vector<16xf32> to vector<16xf32>
      %get3A_50 = arith.constant 32 : index
      %get3A_51 = tpu.vector_load %arg6[%get3A_50] {strides = array<i32>} : memref<64xi32, #tpu.memory_space<vmem>>, vector<16xi32>,
      %get3A_52 = vector.shape_cast %get3A_51 : vector<16xi32> to vector<16xi32>
      %convert_element_type3A_53 = arith.sitofp %get3A_52 : vector<16xi32> to vector<16xf32>
      %neg3A_54 = arith.constant 0.000000e+00 : f32
      %neg3A_55 = vector.broadcast %neg3A_54 : f32 to vector<16xf32>
      %neg3A_56 = arith.subf %neg3A_55, %get3A_49 : vector<16xf32>
      %exp3A_57 = math.exp %neg3A_56 : vector<16xf32>
      %add3A_58 = arith.constant 1.000000e+00 : f32
      %add3A_59 = vector.broadcast %add3A_58 : f32 to vector<16xf32>
      %add3A_60 = arith.addf %add3A_59, %exp3A_57 : vector<16xf32>
      %div3A_61 = arith.constant 1.000000e+00 : f32
      %div3A_62 = vector.broadcast %div3A_61 : f32 to vector<16xf32>
      %div3A_63 = arith.divf %div3A_62, %add3A_60 : vector<16xf32>
      %mul3A_64 = arith.mulf %div3A_63, %convert_element_type3A_53 : vector<16xf32>
      %add3A_65 = arith.addf %add3A_44, %mul3A_64 : vector<16xf32>
      %add3A_66 = arith.addf %add3A_45, %div3A_63 : vector<16xf32>
      %add3A_67 = arith.addf %add3A_46, %convert_element_type3A_53 : vector<16xf32>
      %get3A_68 = arith.constant 48 : index
      %get3A_69 = tpu.vector_load %arg5[%get3A_68] {strides = array<i32>} : memref<64xf32, #tpu.memory_space<vmem>>, vector<16xf32>,
      %get3A_70 = vector.shape_cast %get3A_69 : vector<16xf32> to vector<16xf32>
      %get3A_71 = arith.constant 48 : index
      %get3A_72 = tpu.vector_load %arg6[%get3A_71] {strides = array<i32>} : memref<64xi32, #tpu.memory_space<vmem>>, vector<16xi32>,
      %get3A_73 = vector.shape_cast %get3A_72 : vector<16xi32> to vector<16xi32>
      %convert_element_type3A_74 = arith.sitofp %get3A_73 : vector<16xi32> to vector<16xf32>
      %neg3A_75 = arith.constant 0.000000e+00 : f32
      %neg3A_76 = vector.broadcast %neg3A_75 : f32 to vector<16xf32>
      %neg3A_77 = arith.subf %neg3A_76, %get3A_70 : vector<16xf32>
      %exp3A_78 = math.exp %neg3A_77 : vector<16xf32>
      %add3A_79 = arith.constant 1.000000e+00 : f32
      %add3A_80 = vector.broadcast %add3A_79 : f32 to vector<16xf32>
      %add3A_81 = arith.addf %add3A_80, %exp3A_78 : vector<16xf32>
      %div3A_82 = arith.constant 1.000000e+00 : f32
      %div3A_83 = vector.broadcast %div3A_82 : f32 to vector<16xf32>
      %div3A_84 = arith.divf %div3A_83, %add3A_81 : vector<16xf32>
      %mul3A_85 = arith.mulf %div3A_84, %convert_element_type3A_74 : vector<16xf32>
      %add3A_86 = arith.addf %add3A_65, %mul3A_85 : vector<16xf32>
      %add3A_87 = arith.addf %add3A_66, %div3A_84 : vector<16xf32>
      %add3A_88 = arith.addf %add3A_67, %convert_element_type3A_74 : vector<16xf32>
      %swap3A = arith.constant 0 : index
      %swap3A_89 = tpu.vector_load %arg7[%swap3A] {strides = array<i32>} : memref<48xf32, #tpu.memory_space<vmem>>, vector<16xf32>,
      %swap3A_90 = vector.shape_cast %swap3A_89 : vector<16xf32> to vector<16xf32>
      %swap3A_91 = vector.shape_cast %add3A_86 : vector<16xf32> to vector<16xf32>
      tpu.vector_store %arg7[%swap3A], %swap3A_91 {strides = array<i32>} : memref<48xf32, #tpu.memory_space<vmem>>, vector<16xf32>,
      %swap3A_92 = arith.constant 16 : index
      %swap3A_93 = tpu.vector_load %arg7[%swap3A_92] {strides = array<i32>} : memref<48xf32, #tpu.memory_space<vmem>>, vector<16xf32>,
      %swap3A_94 = vector.shape_cast %swap3A_93 : vector<16xf32> to vector<16xf32>
      %swap3A_95 = vector.shape_cast %add3A_87 : vector<16xf32> to vector<16xf32>
      tpu.vector_store %arg7[%swap3A_92], %swap3A_95 {strides = array<i32>} : memref<48xf32, #tpu.memory_space<vmem>>, vector<16xf32>,
      %swap3A_96 = arith.constant 32 : index
      %swap3A_97 = tpu.vector_load %arg7[%swap3A_96] {strides = array<i32>} : memref<48xf32, #tpu.memory_space<vmem>>, vector<16xf32>,
      %swap3A_98 = vector.shape_cast %swap3A_97 : vector<16xf32> to vector<16xf32>
      %swap3A_99 = vector.shape_cast %add3A_88 : vector<16xf32> to vector<16xf32>
      tpu.vector_store %arg7[%swap3A_96], %swap3A_99 {strides = array<i32>} : memref<48xf32, #tpu.memory_space<vmem>>, vector<16xf32>,
      %mul3A_100 = arith.constant 48 : i32
      %mul3A_101 = arith.muli %arg1, %mul3A_100 : i32
      "tpu.region"() ({
        %run_scoped3A = tpu.sem_alloc : memref<!tpu.dma_semaphore, #tpu.memory_space<semaphore_mem>>
        %dma_start3A_108 = tpu.memref_slice %arg9[%mul3A_101] : memref<768xf32, #tpu.memory_space<vmem_shared>> -> memref<48xf32, #tpu.memory_space<vmem_shared>>
        %dma_start3A_109 = tpu.memref_slice %arg9[%mul3A_101] : memref<768xf32, #tpu.memory_space<vmem_shared>> -> memref<48xf32, #tpu.memory_space<vmem_shared>>
        tpu.enqueue_dma source(%arg7 : memref<48xf32, #tpu.memory_space<vmem>>) target(%dma_start3A_109 : memref<48xf32, #tpu.memory_space<vmem_shared>>) target_semaphore(%run_scoped3A : memref<!tpu.dma_semaphore, #tpu.memory_space<semaphore_mem>>)
        %dma_wait3A_110 = tpu.memref_slice %arg9[%mul3A_101] : memref<768xf32, #tpu.memory_space<vmem_shared>> -> memref<48xf32, #tpu.memory_space<vmem_shared>>
        %dma_wait3A_111 = tpu.memref_slice %arg9[%mul3A_101] : memref<768xf32, #tpu.memory_space<vmem_shared>> -> memref<48xf32, #tpu.memory_space<vmem_shared>>
        tpu.wait_dma2 semaphore(%run_scoped3A : memref<!tpu.dma_semaphore, #tpu.memory_space<semaphore_mem>>) src(%arg7 : memref<48xf32, #tpu.memory_space<vmem>>) dst(%dma_wait3A_111 : memref<48xf32, #tpu.memory_space<vmem_shared>>)
        tpu.yield
      }) : () -> ()
      %barrier3A = arith.constant 0 : index
      tpu.barrier barrier_id(%barrier3A)
      %eq3A_102 = arith.constant 0 : i32
      %eq3A_103 = arith.cmpi eq, %arg1, %eq3A_102 : i32
      %convert_element_type3A_104 = arith.extui %eq3A_103 : i1 to i32
      %cond3A_105 = arith.constant 1.000000e+00 : f32
      %cond3A_106 = arith.constant 0 : i32
      %cond3A_107 = arith.cmpi ne, %convert_element_type3A_104, %cond3A_106 : i32
      scf.if %cond3A_107 {
        "tpu.region"() ({
          %run_scoped3A = tpu.sem_alloc : memref<!tpu.dma_semaphore, #tpu.memory_space<semaphore_mem>>
          tpu.enqueue_dma source(%arg9 : memref<768xf32, #tpu.memory_space<vmem_shared>>) target(%arg8 : memref<768xf32, #tpu.memory_space<vmem>>) target_semaphore(%run_scoped3A : memref<!tpu.dma_semaphore, #tpu.memory_space<semaphore_mem>>)
          tpu.wait_dma2 semaphore(%run_scoped3A : memref<!tpu.dma_semaphore, #tpu.memory_space<semaphore_mem>>) src(%arg9 : memref<768xf32, #tpu.memory_space<vmem_shared>>) dst(%arg8 : memref<768xf32, #tpu.memory_space<vmem>>)
          tpu.yield
        }) : () -> ()
        %broadcast_in_dim3A_108 = arith.constant 0.000000e+00 : f32
        %broadcast_in_dim3A_109 = vector.broadcast %broadcast_in_dim3A_108 : f32 to vector<16xf32>
        %broadcast_in_dim3A_110 = arith.constant 0.000000e+00 : f32
        %broadcast_in_dim3A_111 = vector.broadcast %broadcast_in_dim3A_110 : f32 to vector<16xf32>
        %broadcast_in_dim3A_112 = arith.constant 0.000000e+00 : f32
        %broadcast_in_dim3A_113 = vector.broadcast %broadcast_in_dim3A_112 : f32 to vector<16xf32>
        %get3A_114 = arith.constant 0 : index
        %get3A_115 = tpu.vector_load %arg8[%get3A_114] {strides = array<i32>} : memref<768xf32, #tpu.memory_space<vmem>>, vector<16xf32>,
        %get3A_116 = vector.shape_cast %get3A_115 : vector<16xf32> to vector<16xf32>
        %add3A_117 = arith.addf %broadcast_in_dim3A_109, %get3A_116 : vector<16xf32>
        %get3A_118 = arith.constant 16 : index
        %get3A_119 = tpu.vector_load %arg8[%get3A_118] {strides = array<i32>} : memref<768xf32, #tpu.memory_space<vmem>>, vector<16xf32>,
        %get3A_120 = vector.shape_cast %get3A_119 : vector<16xf32> to vector<16xf32>
        %add3A_121 = arith.addf %broadcast_in_dim3A_111, %get3A_120 : vector<16xf32>
        %get3A_122 = arith.constant 32 : index
        %get3A_123 = tpu.vector_load %arg8[%get3A_122] {strides = array<i32>} : memref<768xf32, #tpu.memory_space<vmem>>, vector<16xf32>,
        %get3A_124 = vector.shape_cast %get3A_123 : vector<16xf32> to vector<16xf32>
        %add3A_125 = arith.addf %broadcast_in_dim3A_113, %get3A_124 : vector<16xf32>
        %get3A_126 = arith.constant 48 : index
        %get3A_127 = tpu.vector_load %arg8[%get3A_126] {strides = array<i32>} : memref<768xf32, #tpu.memory_space<vmem>>, vector<16xf32>,
        %get3A_128 = vector.shape_cast %get3A_127 : vector<16xf32> to vector<16xf32>
        %add3A_129 = arith.addf %add3A_117, %get3A_128 : vector<16xf32>
        %get3A_130 = arith.constant 64 : index
        %get3A_131 = tpu.vector_load %arg8[%get3A_130] {strides = array<i32>} : memref<768xf32, #tpu.memory_space<vmem>>, vector<16xf32>,
        %get3A_132 = vector.shape_cast %get3A_131 : vector<16xf32> to vector<16xf32>
        %add3A_133 = arith.addf %add3A_121, %get3A_132 : vector<16xf32>
        %get3A_134 = arith.constant 80 : index
        %get3A_135 = tpu.vector_load %arg8[%get3A_134] {strides = array<i32>} : memref<768xf32, #tpu.memory_space<vmem>>, vector<16xf32>,
        %get3A_136 = vector.shape_cast %get3A_135 : vector<16xf32> to vector<16xf32>
        %add3A_137 = arith.addf %add3A_125, %get3A_136 : vector<16xf32>
        %get3A_138 = arith.constant 96 : index
        %get3A_139 = tpu.vector_load %arg8[%get3A_138] {strides = array<i32>} : memref<768xf32, #tpu.memory_space<vmem>>, vector<16xf32>,
        %get3A_140 = vector.shape_cast %get3A_139 : vector<16xf32> to vector<16xf32>
        %add3A_141 = arith.addf %add3A_129, %get3A_140 : vector<16xf32>
        %get3A_142 = arith.constant 112 : index
        %get3A_143 = tpu.vector_load %arg8[%get3A_142] {strides = array<i32>} : memref<768xf32, #tpu.memory_space<vmem>>, vector<16xf32>,
        %get3A_144 = vector.shape_cast %get3A_143 : vector<16xf32> to vector<16xf32>
        %add3A_145 = arith.addf %add3A_133, %get3A_144 : vector<16xf32>
        %get3A_146 = arith.constant 128 : index
        %get3A_147 = tpu.vector_load %arg8[%get3A_146] {strides = array<i32>} : memref<768xf32, #tpu.memory_space<vmem>>, vector<16xf32>,
        %get3A_148 = vector.shape_cast %get3A_147 : vector<16xf32> to vector<16xf32>
        %add3A_149 = arith.addf %add3A_137, %get3A_148 : vector<16xf32>
        %get3A_150 = arith.constant 144 : index
        %get3A_151 = tpu.vector_load %arg8[%get3A_150] {strides = array<i32>} : memref<768xf32, #tpu.memory_space<vmem>>, vector<16xf32>,
        %get3A_152 = vector.shape_cast %get3A_151 : vector<16xf32> to vector<16xf32>
        %add3A_153 = arith.addf %add3A_141, %get3A_152 : vector<16xf32>
        %get3A_154 = arith.constant 160 : index
        %get3A_155 = tpu.vector_load %arg8[%get3A_154] {strides = array<i32>} : memref<768xf32, #tpu.memory_space<vmem>>, vector<16xf32>,
        %get3A_156 = vector.shape_cast %get3A_155 : vector<16xf32> to vector<16xf32>
        %add3A_157 = arith.addf %add3A_145, %get3A_156 : vector<16xf32>
        %get3A_158 = arith.constant 176 : index
        %get3A_159 = tpu.vector_load %arg8[%get3A_158] {strides = array<i32>} : memref<768xf32, #tpu.memory_space<vmem>>, vector<16xf32>,
        %get3A_160 = vector.shape_cast %get3A_159 : vector<16xf32> to vector<16xf32>
        %add3A_161 = arith.addf %add3A_149, %get3A_160 : vector<16xf32>
        %get3A_162 = arith.constant 192 : index
        %get3A_163 = tpu.vector_load %arg8[%get3A_162] {strides = array<i32>} : memref<768xf32, #tpu.memory_space<vmem>>, vector<16xf32>,
        %get3A_164 = vector.shape_cast %get3A_163 : vector<16xf32> to vector<16xf32>
        %add3A_165 = arith.addf %add3A_153, %get3A_164 : vector<16xf32>
        %get3A_166 = arith.constant 208 : index
        %get3A_167 = tpu.vector_load %arg8[%get3A_166] {strides = array<i32>} : memref<768xf32, #tpu.memory_space<vmem>>, vector<16xf32>,
        %get3A_168 = vector.shape_cast %get3A_167 : vector<16xf32> to vector<16xf32>
        %add3A_169 = arith.addf %add3A_157, %get3A_168 : vector<16xf32>
        %get3A_170 = arith.constant 224 : index
        %get3A_171 = tpu.vector_load %arg8[%get3A_170] {strides = array<i32>} : memref<768xf32, #tpu.memory_space<vmem>>, vector<16xf32>,
        %get3A_172 = vector.shape_cast %get3A_171 : vector<16xf32> to vector<16xf32>
        %add3A_173 = arith.addf %add3A_161, %get3A_172 : vector<16xf32>
        %get3A_174 = arith.constant 240 : index
        %get3A_175 = tpu.vector_load %arg8[%get3A_174] {strides = array<i32>} : memref<768xf32, #tpu.memory_space<vmem>>, vector<16xf32>,
        %get3A_176 = vector.shape_cast %get3A_175 : vector<16xf32> to vector<16xf32>
        %add3A_177 = arith.addf %add3A_165, %get3A_176 : vector<16xf32>
        %get3A_178 = arith.constant 256 : index
        %get3A_179 = tpu.vector_load %arg8[%get3A_178] {strides = array<i32>} : memref<768xf32, #tpu.memory_space<vmem>>, vector<16xf32>,
        %get3A_180 = vector.shape_cast %get3A_179 : vector<16xf32> to vector<16xf32>
        %add3A_181 = arith.addf %add3A_169, %get3A_180 : vector<16xf32>
        %get3A_182 = arith.constant 272 : index
        %get3A_183 = tpu.vector_load %arg8[%get3A_182] {strides = array<i32>} : memref<768xf32, #tpu.memory_space<vmem>>, vector<16xf32>,
        %get3A_184 = vector.shape_cast %get3A_183 : vector<16xf32> to vector<16xf32>
        %add3A_185 = arith.addf %add3A_173, %get3A_184 : vector<16xf32>
        %get3A_186 = arith.constant 288 : index
        %get3A_187 = tpu.vector_load %arg8[%get3A_186] {strides = array<i32>} : memref<768xf32, #tpu.memory_space<vmem>>, vector<16xf32>,
        %get3A_188 = vector.shape_cast %get3A_187 : vector<16xf32> to vector<16xf32>
        %add3A_189 = arith.addf %add3A_177, %get3A_188 : vector<16xf32>
        %get3A_190 = arith.constant 304 : index
        %get3A_191 = tpu.vector_load %arg8[%get3A_190] {strides = array<i32>} : memref<768xf32, #tpu.memory_space<vmem>>, vector<16xf32>,
        %get3A_192 = vector.shape_cast %get3A_191 : vector<16xf32> to vector<16xf32>
        %add3A_193 = arith.addf %add3A_181, %get3A_192 : vector<16xf32>
        %get3A_194 = arith.constant 320 : index
        %get3A_195 = tpu.vector_load %arg8[%get3A_194] {strides = array<i32>} : memref<768xf32, #tpu.memory_space<vmem>>, vector<16xf32>,
        %get3A_196 = vector.shape_cast %get3A_195 : vector<16xf32> to vector<16xf32>
        %add3A_197 = arith.addf %add3A_185, %get3A_196 : vector<16xf32>
        %get3A_198 = arith.constant 336 : index
        %get3A_199 = tpu.vector_load %arg8[%get3A_198] {strides = array<i32>} : memref<768xf32, #tpu.memory_space<vmem>>, vector<16xf32>,
        %get3A_200 = vector.shape_cast %get3A_199 : vector<16xf32> to vector<16xf32>
        %add3A_201 = arith.addf %add3A_189, %get3A_200 : vector<16xf32>
        %get3A_202 = arith.constant 352 : index
        %get3A_203 = tpu.vector_load %arg8[%get3A_202] {strides = array<i32>} : memref<768xf32, #tpu.memory_space<vmem>>, vector<16xf32>,
        %get3A_204 = vector.shape_cast %get3A_203 : vector<16xf32> to vector<16xf32>
        %add3A_205 = arith.addf %add3A_193, %get3A_204 : vector<16xf32>
        %get3A_206 = arith.constant 368 : index
        %get3A_207 = tpu.vector_load %arg8[%get3A_206] {strides = array<i32>} : memref<768xf32, #tpu.memory_space<vmem>>, vector<16xf32>,
        %get3A_208 = vector.shape_cast %get3A_207 : vector<16xf32> to vector<16xf32>
        %add3A_209 = arith.addf %add3A_197, %get3A_208 : vector<16xf32>
        %get3A_210 = arith.constant 384 : index
        %get3A_211 = tpu.vector_load %arg8[%get3A_210] {strides = array<i32>} : memref<768xf32, #tpu.memory_space<vmem>>, vector<16xf32>,
        %get3A_212 = vector.shape_cast %get3A_211 : vector<16xf32> to vector<16xf32>
        %add3A_213 = arith.addf %add3A_201, %get3A_212 : vector<16xf32>
        %get3A_214 = arith.constant 400 : index
        %get3A_215 = tpu.vector_load %arg8[%get3A_214] {strides = array<i32>} : memref<768xf32, #tpu.memory_space<vmem>>, vector<16xf32>,
        %get3A_216 = vector.shape_cast %get3A_215 : vector<16xf32> to vector<16xf32>
        %add3A_217 = arith.addf %add3A_205, %get3A_216 : vector<16xf32>
        %get3A_218 = arith.constant 416 : index
        %get3A_219 = tpu.vector_load %arg8[%get3A_218] {strides = array<i32>} : memref<768xf32, #tpu.memory_space<vmem>>, vector<16xf32>,
        %get3A_220 = vector.shape_cast %get3A_219 : vector<16xf32> to vector<16xf32>
        %add3A_221 = arith.addf %add3A_209, %get3A_220 : vector<16xf32>
        %get3A_222 = arith.constant 432 : index
        %get3A_223 = tpu.vector_load %arg8[%get3A_222] {strides = array<i32>} : memref<768xf32, #tpu.memory_space<vmem>>, vector<16xf32>,
        %get3A_224 = vector.shape_cast %get3A_223 : vector<16xf32> to vector<16xf32>
        %add3A_225 = arith.addf %add3A_213, %get3A_224 : vector<16xf32>
        %get3A_226 = arith.constant 448 : index
        %get3A_227 = tpu.vector_load %arg8[%get3A_226] {strides = array<i32>} : memref<768xf32, #tpu.memory_space<vmem>>, vector<16xf32>,
        %get3A_228 = vector.shape_cast %get3A_227 : vector<16xf32> to vector<16xf32>
        %add3A_229 = arith.addf %add3A_217, %get3A_228 : vector<16xf32>
        %get3A_230 = arith.constant 464 : index
        %get3A_231 = tpu.vector_load %arg8[%get3A_230] {strides = array<i32>} : memref<768xf32, #tpu.memory_space<vmem>>, vector<16xf32>,
        %get3A_232 = vector.shape_cast %get3A_231 : vector<16xf32> to vector<16xf32>
        %add3A_233 = arith.addf %add3A_221, %get3A_232 : vector<16xf32>
        %get3A_234 = arith.constant 480 : index
        %get3A_235 = tpu.vector_load %arg8[%get3A_234] {strides = array<i32>} : memref<768xf32, #tpu.memory_space<vmem>>, vector<16xf32>,
        %get3A_236 = vector.shape_cast %get3A_235 : vector<16xf32> to vector<16xf32>
        %add3A_237 = arith.addf %add3A_225, %get3A_236 : vector<16xf32>
        %get3A_238 = arith.constant 496 : index
        %get3A_239 = tpu.vector_load %arg8[%get3A_238] {strides = array<i32>} : memref<768xf32, #tpu.memory_space<vmem>>, vector<16xf32>,
        %get3A_240 = vector.shape_cast %get3A_239 : vector<16xf32> to vector<16xf32>
        %add3A_241 = arith.addf %add3A_229, %get3A_240 : vector<16xf32>
        %get3A_242 = arith.constant 512 : index
        %get3A_243 = tpu.vector_load %arg8[%get3A_242] {strides = array<i32>} : memref<768xf32, #tpu.memory_space<vmem>>, vector<16xf32>,
        %get3A_244 = vector.shape_cast %get3A_243 : vector<16xf32> to vector<16xf32>
        %add3A_245 = arith.addf %add3A_233, %get3A_244 : vector<16xf32>
        %get3A_246 = arith.constant 528 : index
        %get3A_247 = tpu.vector_load %arg8[%get3A_246] {strides = array<i32>} : memref<768xf32, #tpu.memory_space<vmem>>, vector<16xf32>,
        %get3A_248 = vector.shape_cast %get3A_247 : vector<16xf32> to vector<16xf32>
        %add3A_249 = arith.addf %add3A_237, %get3A_248 : vector<16xf32>
        %get3A_250 = arith.constant 544 : index
        %get3A_251 = tpu.vector_load %arg8[%get3A_250] {strides = array<i32>} : memref<768xf32, #tpu.memory_space<vmem>>, vector<16xf32>,
        %get3A_252 = vector.shape_cast %get3A_251 : vector<16xf32> to vector<16xf32>
        %add3A_253 = arith.addf %add3A_241, %get3A_252 : vector<16xf32>
        %get3A_254 = arith.constant 560 : index
        %get3A_255 = tpu.vector_load %arg8[%get3A_254] {strides = array<i32>} : memref<768xf32, #tpu.memory_space<vmem>>, vector<16xf32>,
        %get3A_256 = vector.shape_cast %get3A_255 : vector<16xf32> to vector<16xf32>
        %add3A_257 = arith.addf %add3A_245, %get3A_256 : vector<16xf32>
        %get3A_258 = arith.constant 576 : index
        %get3A_259 = tpu.vector_load %arg8[%get3A_258] {strides = array<i32>} : memref<768xf32, #tpu.memory_space<vmem>>, vector<16xf32>,
        %get3A_260 = vector.shape_cast %get3A_259 : vector<16xf32> to vector<16xf32>
        %add3A_261 = arith.addf %add3A_249, %get3A_260 : vector<16xf32>
        %get3A_262 = arith.constant 592 : index
        %get3A_263 = tpu.vector_load %arg8[%get3A_262] {strides = array<i32>} : memref<768xf32, #tpu.memory_space<vmem>>, vector<16xf32>,
        %get3A_264 = vector.shape_cast %get3A_263 : vector<16xf32> to vector<16xf32>
        %add3A_265 = arith.addf %add3A_253, %get3A_264 : vector<16xf32>
        %get3A_266 = arith.constant 608 : index
        %get3A_267 = tpu.vector_load %arg8[%get3A_266] {strides = array<i32>} : memref<768xf32, #tpu.memory_space<vmem>>, vector<16xf32>,
        %get3A_268 = vector.shape_cast %get3A_267 : vector<16xf32> to vector<16xf32>
        %add3A_269 = arith.addf %add3A_257, %get3A_268 : vector<16xf32>
        %get3A_270 = arith.constant 624 : index
        %get3A_271 = tpu.vector_load %arg8[%get3A_270] {strides = array<i32>} : memref<768xf32, #tpu.memory_space<vmem>>, vector<16xf32>,
        %get3A_272 = vector.shape_cast %get3A_271 : vector<16xf32> to vector<16xf32>
        %add3A_273 = arith.addf %add3A_261, %get3A_272 : vector<16xf32>
        %get3A_274 = arith.constant 640 : index
        %get3A_275 = tpu.vector_load %arg8[%get3A_274] {strides = array<i32>} : memref<768xf32, #tpu.memory_space<vmem>>, vector<16xf32>,
        %get3A_276 = vector.shape_cast %get3A_275 : vector<16xf32> to vector<16xf32>
        %add3A_277 = arith.addf %add3A_265, %get3A_276 : vector<16xf32>
        %get3A_278 = arith.constant 656 : index
        %get3A_279 = tpu.vector_load %arg8[%get3A_278] {strides = array<i32>} : memref<768xf32, #tpu.memory_space<vmem>>, vector<16xf32>,
        %get3A_280 = vector.shape_cast %get3A_279 : vector<16xf32> to vector<16xf32>
        %add3A_281 = arith.addf %add3A_269, %get3A_280 : vector<16xf32>
        %get3A_282 = arith.constant 672 : index
        %get3A_283 = tpu.vector_load %arg8[%get3A_282] {strides = array<i32>} : memref<768xf32, #tpu.memory_space<vmem>>, vector<16xf32>,
        %get3A_284 = vector.shape_cast %get3A_283 : vector<16xf32> to vector<16xf32>
        %add3A_285 = arith.addf %add3A_273, %get3A_284 : vector<16xf32>
        %get3A_286 = arith.constant 688 : index
        %get3A_287 = tpu.vector_load %arg8[%get3A_286] {strides = array<i32>} : memref<768xf32, #tpu.memory_space<vmem>>, vector<16xf32>,
        %get3A_288 = vector.shape_cast %get3A_287 : vector<16xf32> to vector<16xf32>
        %add3A_289 = arith.addf %add3A_277, %get3A_288 : vector<16xf32>
        %get3A_290 = arith.constant 704 : index
        %get3A_291 = tpu.vector_load %arg8[%get3A_290] {strides = array<i32>} : memref<768xf32, #tpu.memory_space<vmem>>, vector<16xf32>,
        %get3A_292 = vector.shape_cast %get3A_291 : vector<16xf32> to vector<16xf32>
        %add3A_293 = arith.addf %add3A_281, %get3A_292 : vector<16xf32>
        %get3A_294 = arith.constant 720 : index
        %get3A_295 = tpu.vector_load %arg8[%get3A_294] {strides = array<i32>} : memref<768xf32, #tpu.memory_space<vmem>>, vector<16xf32>,
        %get3A_296 = vector.shape_cast %get3A_295 : vector<16xf32> to vector<16xf32>
        %add3A_297 = arith.addf %add3A_285, %get3A_296 : vector<16xf32>
        %get3A_298 = arith.constant 736 : index
        %get3A_299 = tpu.vector_load %arg8[%get3A_298] {strides = array<i32>} : memref<768xf32, #tpu.memory_space<vmem>>, vector<16xf32>,
        %get3A_300 = vector.shape_cast %get3A_299 : vector<16xf32> to vector<16xf32>
        %add3A_301 = arith.addf %add3A_289, %get3A_300 : vector<16xf32>
        %get3A_302 = arith.constant 752 : index
        %get3A_303 = tpu.vector_load %arg8[%get3A_302] {strides = array<i32>} : memref<768xf32, #tpu.memory_space<vmem>>, vector<16xf32>,
        %get3A_304 = vector.shape_cast %get3A_303 : vector<16xf32> to vector<16xf32>
        %add3A_305 = arith.addf %add3A_293, %get3A_304 : vector<16xf32>
        %iota3A = tpu.iota {dimensions = array<i32: 0>} : vector<16xi32>
        %xor3A = arith.constant 1 : i32
        %xor3A_306 = vector.broadcast %xor3A : i32 to vector<16xi32>
        %xor3A_307 = arith.xori %iota3A, %xor3A_306 : vector<16xi32>
        %broadcast_in_dim3A_308 = vector.shape_cast %xor3A_307 : vector<16xi32> to vector<16x1xi32>
        %gather3A = vector.shape_cast %broadcast_in_dim3A_308 : vector<16x1xi32> to vector<16xi32>
        %gather3A_309 = tpu.dynamic_gather %add3A_297[%gather3A] in [0] : vector<16xf32>, vector<16xi32> -> vector<16xf32>
        %add3A_310 = arith.addf %add3A_297, %gather3A_309 : vector<16xf32>
        %xor3A_311 = arith.constant 2 : i32
        %xor3A_312 = vector.broadcast %xor3A_311 : i32 to vector<16xi32>
        %xor3A_313 = arith.xori %iota3A, %xor3A_312 : vector<16xi32>
        %broadcast_in_dim3A_314 = vector.shape_cast %xor3A_313 : vector<16xi32> to vector<16x1xi32>
        %gather3A_315 = vector.shape_cast %broadcast_in_dim3A_314 : vector<16x1xi32> to vector<16xi32>
        %gather3A_316 = tpu.dynamic_gather %add3A_310[%gather3A_315] in [0] : vector<16xf32>, vector<16xi32> -> vector<16xf32>
        %add3A_317 = arith.addf %add3A_310, %gather3A_316 : vector<16xf32>
        %xor3A_318 = arith.constant 4 : i32
        %xor3A_319 = vector.broadcast %xor3A_318 : i32 to vector<16xi32>
        %xor3A_320 = arith.xori %iota3A, %xor3A_319 : vector<16xi32>
        %broadcast_in_dim3A_321 = vector.shape_cast %xor3A_320 : vector<16xi32> to vector<16x1xi32>
        %gather3A_322 = vector.shape_cast %broadcast_in_dim3A_321 : vector<16x1xi32> to vector<16xi32>
        %gather3A_323 = tpu.dynamic_gather %add3A_317[%gather3A_322] in [0] : vector<16xf32>, vector<16xi32> -> vector<16xf32>
        %add3A_324 = arith.addf %add3A_317, %gather3A_323 : vector<16xf32>
        %xor3A_325 = arith.constant 8 : i32
        %xor3A_326 = vector.broadcast %xor3A_325 : i32 to vector<16xi32>
        %xor3A_327 = arith.xori %iota3A, %xor3A_326 : vector<16xi32>
        %broadcast_in_dim3A_328 = vector.shape_cast %xor3A_327 : vector<16xi32> to vector<16x1xi32>
        %gather3A_329 = vector.shape_cast %broadcast_in_dim3A_328 : vector<16x1xi32> to vector<16xi32>
        %gather3A_330 = tpu.dynamic_gather %add3A_324[%gather3A_329] in [0] : vector<16xf32>, vector<16xi32> -> vector<16xf32>
        %add3A_331 = arith.addf %add3A_324, %gather3A_330 : vector<16xf32>
        %iota3A_332 = tpu.iota {dimensions = array<i32: 0>} : vector<16xi32>
        %xor3A_333 = arith.constant 1 : i32
        %xor3A_334 = vector.broadcast %xor3A_333 : i32 to vector<16xi32>
        %xor3A_335 = arith.xori %iota3A_332, %xor3A_334 : vector<16xi32>
        %broadcast_in_dim3A_336 = vector.shape_cast %xor3A_335 : vector<16xi32> to vector<16x1xi32>
        %gather3A_337 = vector.shape_cast %broadcast_in_dim3A_336 : vector<16x1xi32> to vector<16xi32>
        %gather3A_338 = tpu.dynamic_gather %add3A_301[%gather3A_337] in [0] : vector<16xf32>, vector<16xi32> -> vector<16xf32>
        %add3A_339 = arith.addf %add3A_301, %gather3A_338 : vector<16xf32>
        %xor3A_340 = arith.constant 2 : i32
        %xor3A_341 = vector.broadcast %xor3A_340 : i32 to vector<16xi32>
        %xor3A_342 = arith.xori %iota3A_332, %xor3A_341 : vector<16xi32>
        %broadcast_in_dim3A_343 = vector.shape_cast %xor3A_342 : vector<16xi32> to vector<16x1xi32>
        %gather3A_344 = vector.shape_cast %broadcast_in_dim3A_343 : vector<16x1xi32> to vector<16xi32>
        %gather3A_345 = tpu.dynamic_gather %add3A_339[%gather3A_344] in [0] : vector<16xf32>, vector<16xi32> -> vector<16xf32>
        %add3A_346 = arith.addf %add3A_339, %gather3A_345 : vector<16xf32>
        %xor3A_347 = arith.constant 4 : i32
        %xor3A_348 = vector.broadcast %xor3A_347 : i32 to vector<16xi32>
        %xor3A_349 = arith.xori %iota3A_332, %xor3A_348 : vector<16xi32>
        %broadcast_in_dim3A_350 = vector.shape_cast %xor3A_349 : vector<16xi32> to vector<16x1xi32>
        %gather3A_351 = vector.shape_cast %broadcast_in_dim3A_350 : vector<16x1xi32> to vector<16xi32>
        %gather3A_352 = tpu.dynamic_gather %add3A_346[%gather3A_351] in [0] : vector<16xf32>, vector<16xi32> -> vector<16xf32>
        %add3A_353 = arith.addf %add3A_346, %gather3A_352 : vector<16xf32>
        %xor3A_354 = arith.constant 8 : i32
        %xor3A_355 = vector.broadcast %xor3A_354 : i32 to vector<16xi32>
        %xor3A_356 = arith.xori %iota3A_332, %xor3A_355 : vector<16xi32>
        %broadcast_in_dim3A_357 = vector.shape_cast %xor3A_356 : vector<16xi32> to vector<16x1xi32>
        %gather3A_358 = vector.shape_cast %broadcast_in_dim3A_357 : vector<16x1xi32> to vector<16xi32>
        %gather3A_359 = tpu.dynamic_gather %add3A_353[%gather3A_358] in [0] : vector<16xf32>, vector<16xi32> -> vector<16xf32>
        %add3A_360 = arith.addf %add3A_353, %gather3A_359 : vector<16xf32>
        %sub3A = arith.subf %add3A_360, %add3A_331 : vector<16xf32>
        %iota3A_361 = tpu.iota {dimensions = array<i32: 0>} : vector<16xi32>
        %xor3A_362 = arith.constant 1 : i32
        %xor3A_363 = vector.broadcast %xor3A_362 : i32 to vector<16xi32>
        %xor3A_364 = arith.xori %iota3A_361, %xor3A_363 : vector<16xi32>
        %broadcast_in_dim3A_365 = vector.shape_cast %xor3A_364 : vector<16xi32> to vector<16x1xi32>
        %gather3A_366 = vector.shape_cast %broadcast_in_dim3A_365 : vector<16x1xi32> to vector<16xi32>
        %gather3A_367 = tpu.dynamic_gather %add3A_305[%gather3A_366] in [0] : vector<16xf32>, vector<16xi32> -> vector<16xf32>
        %add3A_368 = arith.addf %add3A_305, %gather3A_367 : vector<16xf32>
        %xor3A_369 = arith.constant 2 : i32
        %xor3A_370 = vector.broadcast %xor3A_369 : i32 to vector<16xi32>
        %xor3A_371 = arith.xori %iota3A_361, %xor3A_370 : vector<16xi32>
        %broadcast_in_dim3A_372 = vector.shape_cast %xor3A_371 : vector<16xi32> to vector<16x1xi32>
        %gather3A_373 = vector.shape_cast %broadcast_in_dim3A_372 : vector<16x1xi32> to vector<16xi32>
        %gather3A_374 = tpu.dynamic_gather %add3A_368[%gather3A_373] in [0] : vector<16xf32>, vector<16xi32> -> vector<16xf32>
        %add3A_375 = arith.addf %add3A_368, %gather3A_374 : vector<16xf32>
        %xor3A_376 = arith.constant 4 : i32
        %xor3A_377 = vector.broadcast %xor3A_376 : i32 to vector<16xi32>
        %xor3A_378 = arith.xori %iota3A_361, %xor3A_377 : vector<16xi32>
        %broadcast_in_dim3A_379 = vector.shape_cast %xor3A_378 : vector<16xi32> to vector<16x1xi32>
        %gather3A_380 = vector.shape_cast %broadcast_in_dim3A_379 : vector<16x1xi32> to vector<16xi32>
        %gather3A_381 = tpu.dynamic_gather %add3A_375[%gather3A_380] in [0] : vector<16xf32>, vector<16xi32> -> vector<16xf32>
        %add3A_382 = arith.addf %add3A_375, %gather3A_381 : vector<16xf32>
        %xor3A_383 = arith.constant 8 : i32
        %xor3A_384 = vector.broadcast %xor3A_383 : i32 to vector<16xi32>
        %xor3A_385 = arith.xori %iota3A_361, %xor3A_384 : vector<16xi32>
        %broadcast_in_dim3A_386 = vector.shape_cast %xor3A_385 : vector<16xi32> to vector<16x1xi32>
        %gather3A_387 = vector.shape_cast %broadcast_in_dim3A_386 : vector<16x1xi32> to vector<16xi32>
        %gather3A_388 = tpu.dynamic_gather %add3A_382[%gather3A_387] in [0] : vector<16xf32>, vector<16xi32> -> vector<16xf32>
        %add3A_389 = arith.addf %add3A_382, %gather3A_388 : vector<16xf32>
        %sub3A_390 = arith.constant 1.024000e+03 : f32
        %sub3A_391 = vector.broadcast %sub3A_390 : f32 to vector<16xf32>
        %sub3A_392 = arith.subf %sub3A_391, %add3A_389 : vector<16xf32>
        %mul3A_393 = arith.mulf %add3A_389, %sub3A_392 : vector<16xf32>
        %mul3A_394 = arith.mulf %sub3A_392, %add3A_331 : vector<16xf32>
        %sub3A_395 = arith.subf %mul3A_393, %mul3A_394 : vector<16xf32>
        %mul3A_396 = arith.mulf %add3A_389, %sub3A : vector<16xf32>
        %add3A_397 = arith.addf %sub3A_395, %mul3A_396 : vector<16xf32>
        %max3A = vector.broadcast %cond3A_105 : f32 to vector<16xf32>
        %max3A_398 = arith.maximumf %mul3A_393, %max3A : vector<16xf32>
        %div3A_399 = arith.divf %add3A_397, %max3A_398 : vector<16xf32>
        %swap3A_400 = arith.constant 0 : index
        %swap3A_401 = tpu.vector_load %arg10[%swap3A_400] {strides = array<i32>} : memref<16xf32, #tpu.memory_space<vmem>>, vector<16xf32>,
        %swap3A_402 = vector.shape_cast %swap3A_401 : vector<16xf32> to vector<16xf32>
        %swap3A_403 = vector.shape_cast %div3A_399 : vector<16xf32> to vector<16xf32>
        tpu.vector_store %arg10[%swap3A_400], %swap3A_403 {strides = array<i32>} : memref<16xf32, #tpu.memory_space<vmem>>, vector<16xf32>,
        "tpu.region"() ({
          %run_scoped3A = tpu.sem_alloc : memref<!tpu.dma_semaphore, #tpu.memory_space<semaphore_mem>>
          tpu.enqueue_dma source(%arg10 : memref<16xf32, #tpu.memory_space<vmem>>) target(%arg4 : memref<16xf32, #tpu.memory_space<hbm>>) target_semaphore(%run_scoped3A : memref<!tpu.dma_semaphore, #tpu.memory_space<semaphore_mem>>)
          tpu.wait_dma2 semaphore(%run_scoped3A : memref<!tpu.dma_semaphore, #tpu.memory_space<semaphore_mem>>) src(%arg10 : memref<16xf32, #tpu.memory_space<vmem>>) dst(%arg4 : memref<16xf32, #tpu.memory_space<hbm>>)
          tpu.yield
        }) : () -> ()
      } else {
      }
    } else {
    }
    return
  }
}

</mosaic_0001>

<sc_bundles>
// kernel: kernel.3.cloned.1.call-start
scs
__scs_entry_jumppad:
0x0: {  	(pc) =	sbr.rel $0x88, $3  }
0x1: {  	(tag) =	ssettag $0x0;
	lr =	simm.s32 $0x1  }
0x2: {  	[smem:$0x3F9F] =	sst lr;
	_ =	strace $0xD0000000  }
0x3: {  	_ = 	snop  }
0x4: {  	_ = 	snop  }
0x5: {  	_ = 	snop  }
0x6: {  	_ = 	snop  }
0x7: {  	_ = 	snop  }
__scs_overlays_trampoline_lowered:
0x8: {  	[smem:$0x3FAE] =	sst s0  }
0x9: {  	[smem:$0x3FAF] =	sst s1  }
0xa: {  	[smem:$0x3FB0] =	sst s2  }
0xb: {  	[smem:$0x3FB1] =	sst s3  }
0xc: {  	[smem:$0x3FB2] =	sst s4  }
0xd: {  	[smem:$0x3FB3] =	sst s5  }
0xe: {  	[smem:$0x3FB4] =	sst s6  }
0xf: {  	[smem:$0x3FB5] =	sst s7  }
0x10: {  	[smem:$0x3FB6] =	sst s8  }
0x11: {  	[smem:$0x3FB7] =	sst s9;
	s0 =	simm.s32 @!p0 $0x0  }
0x12: {  	s1 =	sld [smem:$0x3F9D];
	s0 =	simm.s32 @p0 $0x1  }
0x13: {  	[smem:$0x3FB8] =	sst s0;
	s0 =	simm.s32 @!p1 $0x0  }
0x14: {  	s2 =	sld [smem:$0x3F9C];
	s0 =	simm.s32 @p1 $0x1  }
0x15: {  	[smem:$0x3FB9] =	sst s0;
	s0 =	simm.s32 @!p2 $0x0  }
0x16: {  	s3 =	sld [smem:$0x3FDB];
	s0 =	simm.s32 @p2 $0x1  }
0x17: {  	s4 =	simm.s32 $0x1BF5;
	[smem:$0x3FBB] =	sst s0  }
0x18: {  	s0 =	sld [smem:$0x3F9E];
	_ =	swait.ge [sflag:s4], $0x0  }
0x19: {  	s7 =	sld [smem:$0x3F9F]  }
0x1a: {  	s8 =	sadd.s32 $0xFFFFE003, lr  }
0x1b: {  	s9 =	sadd.s32 $0xFFFFFEF7, lr;
	s5 =	simm.s32 $0xFFFFFFFF;
	p2 =	slt.u32 s8, $0xFFFFF086  }
0x1c: {  	p1 =	slt.u32 s9, $0xF7A;
	s5 =	simm.s32 @!p2 $0x0  }
0x1d: {  	s5 =	simm.s32 @p1 $0x1;
	p0 =	seq.s32 s7, s2  }
0x1e: {  	s7 =	smul.u32 @!p0 $0xF7A, s2;
	p2 =	seq.s32 @!p0 s5, $0x0  }
0x1f: {  	s9 =	smul.u32 $0xF7A, s1;
	s8 =	simm.s32 @!p0 $0x1BF5;
	p2 =	por !p2, p0  }
0x20: {  	[sflag:s8] =	ssyncset.s32 @!p0 $0xFFFFF086;
	s6 =	sadd.s32 @!p0 s3, s7;
	s7 =	simm.s32 @!p0 $0x108  }
0x21: {  	s3 =	sadd.s32 s3, s9;
	s6 =	sadd.s32 @!p0 $0x88, s6;
	s7 =	simm.s32 @p2 $0x1082  }
0x22: {  	[simem:s7], [sflag:s8] =	dma.local @!p0 [hbm:s6], $0xF7A  }
0x23: {  	s9 =	sor.u32 $0xD0000000, s2;
	s6 =	simm.s32 $0x108;
	_ =	swait.ge @!p0 [sflag:s8], $0x0  }
0x24: {  	s3 =	sadd.s32 $0x88, s3;
	s6 =	simm.s32 @!p1 $0x1082;
	[sflag:s4] =	ssyncset.s32 $0xFFFFF086  }
0x25: {  	[simem:s6], [sflag:s4] =	dma.local [hbm:s3], $0xF7A  }
0x26: {  	[smem:$0x3F9F] =	sst s1;
	(tag) =	ssettag s2;
	_ =	strace s9  }
0x27: {  	s1 =	sld [smem:$0x3FAF]  }
0x28: {  	s2 =	sld [smem:$0x3FB0]  }
0x29: {  	s4 =	sld [smem:$0x3FB2]  }
0x2a: {  	p0 =	seq.s32 s5, $0x0;
	s5 =	sld [smem:$0x3FB3]  }
0x2b: {  	s6 =	sld [smem:$0x3FB4]  }
0x2c: {  	s7 =	sld [smem:$0x3FB5]  }
0x2d: {  	s3 =	simm.s32 $0x108;
	s8 =	sld [smem:$0x3FB6]  }
0x2e: {  	s3 =	simm.s32 @!p0 $0x1082;
	s9 =	sld [smem:$0x3FB7]  }
0x2f: {  	lr =	sadd.s32 s0, s3;
	s0 =	sld [smem:$0x3FAE]  }
0x30: {  	s3 =	sld [smem:$0x3FB1]  }
0x31: {  	[smem:$0x3FBA] =	sst s10  }
0x32: {  	s10 =	sld [smem:$0x3FB8];
	_ =	sdelay $0x3  }
0x33: {  	p0 =	seq.s32 s10, $0x1;
	s10 =	sld [smem:$0x3FBA];
	_ =	sdelay $0x3  }
0x34: {  	[smem:$0x3FBA] =	sst s10  }
0x35: {  	s10 =	sld [smem:$0x3FB9];
	_ =	sdelay $0x3  }
0x36: {  	p1 =	seq.s32 s10, $0x1;
	s10 =	sld [smem:$0x3FBA];
	_ =	sdelay $0x3  }
0x37: {  	[smem:$0x3FBA] =	sst s10  }
0x38: {  	s10 =	sld [smem:$0x3FBB]  }
0x39: {  	_ = 	snop;
	(pc) =	sbr.ind lr, $3  }
0x3a: {  	_ = 	snop  }
0x3b: {  	_ = 	snop  }
0x3c: {  	p2 =	seq.s32 s10, $0x1;
	s10 =	sld [smem:$0x3FBA]  }
0x3d: {  	_ =	shalt  }
0x3e: {  	_ =	shalt  }
0x3f: {  	_ =	shalt  }
0x40: {  	_ =	shalt  }
0x41: {  	_ =	shalt  }
0x42: {  	_ =	shalt  }
0x43: {  	_ =	shalt  }
0x44: {  	_ =	shalt  }
0x45: {  	_ =	shalt  }
0x46: {  	_ =	shalt  }
0x47: {  	_ =	shalt  }
0x48: {  	_ =	shalt  }
0x49: {  	_ =	shalt  }
0x4a: {  	_ =	shalt  }
0x4b: {  	_ =	shalt  }
0x4c: {  	_ =	shalt  }
0x4d: {  	_ =	shalt  }
0x4e: {  	_ =	shalt  }
0x4f: {  	_ =	shalt  }
0x50: {  	_ =	shalt  }
0x51: {  	_ =	shalt  }
0x52: {  	_ =	shalt  }
0x53: {  	_ =	shalt  }
0x54: {  	_ =	shalt  }
0x55: {  	_ =	shalt  }
0x56: {  	_ =	shalt  }
0x57: {  	_ =	shalt  }
0x58: {  	_ =	shalt  }
0x59: {  	_ =	shalt  }
0x5a: {  	_ =	shalt  }
0x5b: {  	_ =	shalt  }
0x5c: {  	_ =	shalt  }
0x5d: {  	_ =	shalt  }
0x5e: {  	_ =	shalt  }
0x5f: {  	_ =	shalt  }
0x60: {  	_ =	shalt  }
0x61: {  	_ =	shalt  }
0x62: {  	_ =	shalt  }
0x63: {  	_ =	shalt  }
0x64: {  	_ =	shalt  }
0x65: {  	_ =	shalt  }
0x66: {  	_ =	shalt  }
0x67: {  	_ =	shalt  }
0x68: {  	_ =	shalt  }
0x69: {  	_ =	shalt  }
0x6a: {  	_ =	shalt  }
0x6b: {  	_ =	shalt  }
0x6c: {  	_ =	shalt  }
0x6d: {  	_ =	shalt  }
0x6e: {  	_ =	shalt  }
0x6f: {  	_ =	shalt  }
0x70: {  	_ =	shalt  }
0x71: {  	_ =	shalt  }
0x72: {  	_ =	shalt  }
0x73: {  	_ =	shalt  }
0x74: {  	_ =	shalt  }
0x75: {  	_ =	shalt  }
0x76: {  	_ =	shalt  }
0x77: {  	_ =	shalt  }
0x78: {  	_ =	shalt  }
0x79: {  	_ =	shalt  }
0x7a: {  	_ =	shalt  }
0x7b: {  	_ =	shalt  }
0x7c: {  	_ =	shalt  }
0x7d: {  	_ =	shalt  }
0x7e: {  	_ =	shalt  }
0x7f: {  	_ =	shalt  }
0x80: {  	_ =	shalt  }
0x81: {  	_ =	shalt  }
0x82: {  	_ =	shalt  }
0x83: {  	_ =	shalt  }
0x84: {  	_ =	shalt  }
0x85: {  	_ =	shalt  }
0x86: {  	_ =	shalt  }
0x87: {  	_ =	shalt  }
.Lfunc_end0:
.L_simem_size_0:
called_computation_lowered:
.L_overlay_start_0:
0x88: {  	s2 =	sld [smem:$0x3FD9]  }
0x89: {  	s3 =	sld [smem:$0x3FFE];
	_ =	sdelay $0x1  }
0x8a: {  	s1 =	srdreg.scid  }
0x8b: {  	s0 =	sand.u32 $0x1, s1  }
0x8c: {  	s18 =	sshll.u32 s0, $0xA;
	s2 =	sadd.s32 s3, s2  }
0x8d: {  	s2 =	sadd.s32 s2, s18  }
0x8e: {  	[smem:$0x3FC6] =	sst s2  }
0x8f: {  	_ = 	snop  }
0x90: {  	s2 =	sld [smem:$0x3FC9]  }
0x91: {  	s19 =	sld [smem:$0x3FC8]  }
0x92: {  	s4 =	sld [smem:$0x3FD0];
	(tm) =	ssettm $0x1  }
0x93: {  	s5 =	sld [smem:$0x3FFB];
	_ =	sdelay $0x3  }
0x94: {  	_ =	strace s5  }
0x95: {  	s5 =	sld [smem:$0x3FFC];
	_ =	sdelay $0x3  }
0x96: {  	_ =	strace s5  }
0x97: {  	s5 =	sld [smem:$0x3FFD];
	_ =	sdelay $0x3  }
0x98: {  	_ =	strace s5  }
0x99: {  	_ =	strace $0x8FFFFFFF  }
0x9a: {  	s20 =	sld [smem:$0x3FDB];
	_ =	sdelay $0x1  }
0x9b: {  	s6 =	simm.s32 $_scs_section_size  }
0x9c: {  	s7 =	simm.s32 $_size__tile_overlayer_lowered;
	s8 =	simm.s32 $_tile_overlayer_lowered  }
0x9d: {  	s23 =	simm.s32 $0x1BFF;
	s22 =	sshll.u32 s8, $0x1;
	s5 =	sadd.s32 s6, s20  }
0x9e: {  	s9 =	simm.s32 $0x0;
	s21 =	sshll.u32 s7, $0x1;
	s7 =	sadd.s32 s22, s5  }
0x9f: {  	[timem:s9], [sflag:s23] =	dma.local [hbm:s7], s21  }
0xa0: {  	_ =	swait.ge [sflag:s23], s21  }
0xa1: {  	s6 =	ssub.s32 $0x0, s21;
	[sflag:s23] =	ssyncset.done $0x0  }
0xa2: {  	[sflag:s23] =	ssyncadd.s32 s6;
	_ =	sdelay $0x1  }
0xa3: {  	s24 =	simm.s32 $0x1B8B  }
0xa4: {  	_ =	swait.ge [sflag:s24], $0x1  }
0xa5: {  	[sflag:s24] =	ssyncset.done $0x0  }
0xa6: {  	s25 =	simm.s32 $0x1B8E;
	[sflag:s24] =	ssyncadd.s32 $0xFFFFFFFF  }
0xa7: {  	s26 =	simm.s32 $execute0_lowered;
	[smem:$0x3FD2] =	sst s25  }
0xa8: {  	s6 =	sshll.u32 s26, $0x1;
	_ =	strace $0x80000046;
	[dreg:$0x1] =	wrdreg $0xFFFFFFFF  }
0xa9: {  	s28 =	simm.s32 $_size_execute0_lowered;
	s5 =	sadd.s32 s5, s6;
	[dreg:$0x0] =	wrdreg $0x0  }
0xaa: {  	s6 =	sshll.u32 s28, $0x1;
	[dreg:$0x2] =	wrdreg s5  }
0xab: {  	[dreg:$0x3] =	wrdreg s6  }
0xac: {  	[dreg:$0x4] =	wrdreg $0xC0  }
0xad: {  	_ =	task [dreg:s9], $0x5FFFF  }
0xae: {  	[dreg:$0x1] =	wrdreg $0xFFFFFFFF  }
0xaf: {  	[dreg:$0x0] =	wrdreg $0x60  }
0xb0: {  	[dreg:$0x2] =	wrdreg s2  }
0xb1: {  	[dreg:$0x3] =	wrdreg s19  }
0xb2: {  	[dreg:$0x4] =	wrdreg s4  }
0xb3: {  	[dreg:$0x5] =	wrdreg $0x4800  }
0xb4: {  	[dreg:$0x6] =	wrdreg $0x9  }
0xb5: {  	_ =	task.clear_ibuf [dreg:s9], $0x7FFFF;
	_ =	strace $0x90000046  }
0xb6: {  	s29 =	simm.s32 $0x9;
	_ =	strace $0x80000048  }
0xb7: {  	_ =	swait.ge [sflag:s29], $0x1  }
0xb8: {  	[sflag:s29] =	ssyncadd.s32 $0xFFFFFFFF  }
0xb9: {  	_ =	strace $0x90000048  }
0xba: {  	_ =	sfence  }
0xbb: {  	s30 =	sld [smem:$0x0];
	_ =	sdelay $0x2  }
0xbc: {  	s31 =	sshll.u32 s1, $0xD;
	s1 =	sshrl.u32 s1, $0x2  }
0xbd: {  	s3 =	sand.u32 $0x4000, s31;
	s1 =	sadd.s32 s1, s30  }
0xbe: {  	s0 =	sor.u32 s3, s0;
	s1 =	sshll.u32 s1, $0x11  }
0xbf: {  	s0 =	sor.u32 s1, s0  }
0xc0: {  	s0 =	sadd.s32 $0x8F2B, s0  }
0xc1: {  	[sflag:s0] =	ssyncadd.remote.s32 $0x1  }
0xc2: {  	_ =	sfence.sel $0xFFFF  }
0xc3: {  	[dreg:$0x0] =	wrdreg $0xFFFFFFFF;
	(pc) =	sbr.abs _section_cstart, $3  }
0xc4: {  	[dreg:$0x1] =	wrdreg $0xFFFFFFFF  }
0xc5: {  	_ =	task.clear_ibuf [dreg:s9], $0x2FFFF;
	_ =	strace $0x9FFFFFFF  }
0xc6: {  	(tm) =	ssettm $0x7FFFFFFF  }
0xc7: {  	_ =	shalt  }
tec
execute0_lowered:
.L_overlay_start_1:
0x0: {  	(tag) =	ssettag $0x1  }
0x1: {  	s5 =	rddreg [dreg:$0x0]  }
0x2: {  	s6 =	rddreg [dreg:$0x1]  }
0x3: {  	s2 =	rddreg [dreg:$0x2]  }
0x4: {  	s4 =	rddreg [dreg:$0x3];
	s1 =	srdreg.scid  }
0x5: {  	s0 =	rddreg [dreg:$0x4];
	s7 =	sand.u32 $0x1, s1  }
0x6: {  	s3 =	simm.s32 $0x0;
	s1 =	stileid.u32;
	p0 =	seq.s32 s7, $0x1  }
0x7: {  	[smem:$0x7FF] =	sst s3;
	s7 =	sshll.u32 @!p0 s1, $0x3  }
0x8: {  	_ =	strace $0x80000047;
	s8 =	simm.s32 @!p0 $0x0;
	s5 =	sadd.s32 @!p0 s5, s7  }
0x9: {  	[tilespmem:s8], [sflag:$0x1] =	stream.linear.gather @!p0 [hbm4b:s5+s8], $0x40, $0x38;
	[tilespmem:$0x530] =	vst v63  }
0xa: {  	s5 =	sadd.s32 @!p0 s6, s7;
	s6 =	simm.s32 @!p0 $0x80  }
0xb: {  	[tilespmem:s6], [sflag:$0x2] =	stream.linear.gather @!p0 [hbm4b:s5+s8], $0x40, $0x38;
	[tilespmem:$0x530] =	vst v63  }
0xc: {  	s5 =	simm.s32 @!p0 $0x1  }
0xd: {  	_ =	swait.ge @!p0 [sflag:s5], $0x40  }
0xe: {  	[sflag:s5] =	ssyncset.done @!p0 $0x0  }
0xf: {  	[sflag:s5] =	ssyncadd.s32 @!p0 $0xFFFFFFC0;
	s5 =	simm.s32 @!p0 $0x2  }
0x10: {  	_ =	swait.ge @!p0 [sflag:s5], $0x40  }
0x11: {  	[sflag:s5] =	ssyncset.done @!p0 $0x0  }
0x12: {  	[sflag:s5] =	ssyncadd.s32 @!p0 $0xFFFFFFC0  }
0x13: {  	v0 =	vld @!p0 [tilespmem:$0x0];
	_ =	sdelay $0x4  }
0x14: {  	v0 =	vsub.f32 @!p0 $0.0e+00, v0;
	_ =	sdelay $0x1  }
0x15: {  	v0 =	vmul.f32 @!p0 $1.442695020e+00, v0;
	_ =	sdelay $0x1  }
0x16: {  	(erf) = vpow2.f32 @!p0 v0;
	_ =	sdelay $0x3  }
0x17: {  	v0 =	vld @!p0 [tilespmem:$0x10];
	_ =	sdelay $0x4  }
0x18: {  	v0 =	vsub.f32 @!p0 $0.0e+00, v0;
	v1 =	vpop @!p0 (erf)  }
0x19: {  	v1 =	vadd.f32 @!p0 $1.000000000e+00, v1  }
0x1a: {  	v0 =	vmul.f32 @!p0 $1.442695020e+00, v0  }
0x1b: {  	(erf) = vrcp.f32 @!p0 v1  }
0x1c: {  	(erf) = vpow2.f32 @!p0 v0;
	_ =	sdelay $0x3  }
0x1d: {  	v0 =	vld @!p0 [tilespmem:$0x20];
	_ =	sdelay $0x3  }
0x1e: {  	v1 =	vpop @!p0 (erf)  }
0x1f: {  	v0 =	vsub.f32 @!p0 $0.0e+00, v0;
	v2 =	vpop @!p0 (erf)  }
0x20: {  	v2 =	vadd.f32 @!p0 $1.000000000e+00, v2  }
0x21: {  	v0 =	vmul.f32 @!p0 $1.442695020e+00, v0  }
0x22: {  	(erf) = vrcp.f32 @!p0 v2  }
0x23: {  	(erf) = vpow2.f32 @!p0 v0;
	_ =	sdelay $0x3  }
0x24: {  	v0 =	vld @!p0 [tilespmem:$0x30];
	_ =	sdelay $0x3  }
0x25: {  	v2 =	vpop @!p0 (erf)  }
0x26: {  	v0 =	vsub.f32 @!p0 $0.0e+00, v0;
	v3 =	vpop @!p0 (erf)  }
0x27: {  	v3 =	vadd.f32 @!p0 $1.000000000e+00, v3  }
0x28: {  	v0 =	vmul.f32 @!p0 $1.442695020e+00, v0  }
0x29: {  	(erf) = vrcp.f32 @!p0 v3  }
0x2a: {  	(erf) = vpow2.f32 @!p0 v0;
	_ =	sdelay $0x7  }
0x2b: {  	v3 =	vld @!p0 [tilespmem:$0x80];
	v0 =	vpop @!p0 (erf)  }
0x2c: {  	v4 =	vpop @!p0 (erf)  }
0x2d: {  	v5 =	vld @!p0 [tilespmem:$0x90];
	v4 =	vadd.f32 @!p0 $1.000000000e+00, v4;
	_ =	sdelay $0x1  }
0x2e: {  	(erf) = vrcp.f32 @!p0 v4  }
0x2f: {  	v3 =	vcvt.s32.f32 @!p0 v3;
	v4 =	vld @!p0 [tilespmem:$0xA0]  }
0x30: {  	v6 =	vld @!p0 [tilespmem:$0xB0]  }
0x31: {  	v5 =	vcvt.s32.f32 @!p0 v5;
	v7 =	vmul.f32 @!p0 v3, v1  }
0x32: {  	v1 =	vadd.f32 @!p0 $0.0e+00, v1  }
0x33: {  	v8 =	vmul.f32 @!p0 v5, v2;
	v7 =	vadd.f32 @!p0 $0.0e+00, v7  }
0x34: {  	v3 =	vadd.f32 @!p0 v5, v3;
	v1 =	vadd.f32 @!p0 v2, v1;
	v4 =	vcvt.s32.f32 @!p0 v4  }
0x35: {  	v6 =	vcvt.s32.f32 @!p0 v6;
	v7 =	vadd.f32 @!p0 v8, v7  }
0x36: {  	v8 =	vmul.f32 @!p0 v4, v0;
	v0 =	vadd.f32 @!p0 v0, v1;
	v1 =	vadd.f32 @!p0 v4, v3  }
0x37: {  	v2 =	vpop @!p0 (erf)  }
0x38: {  	v5 =	vadd.f32 @!p0 v8, v7;
	v1 =	vadd.f32 @!p0 v6, v1;
	v7 =	vmul.f32 @!p0 v6, v2  }
0x39: {  	s5 =	smul.u32 @!p0 $0xC0, s1;
	v0 =	vadd.f32 @!p0 v2, v0  }
0x3a: {  	[tilespmem:$0x120] =	vst @!p0 v1;
	v3 =	vadd.f32 @!p0 v7, v5  }
0x3b: {  	s5 =	sshrl.u32 @!p0 s5, $0x2;
	[tilespmem:$0x110] =	vst @!p0 v0  }
0x3c: {  	p1 =	sne.s32 @!p0 s1, $0x0;
	s6 =	simm.s32 @!p0 $0x100;
	s5 =	sadd.s32 @!p0 s5, s4;
	[tilespmem:$0x100] =	vst @!p0 v3  }
0x3d: {  	[spmem:s5] =	stream.linear.scatter @!p0 [tilespmem:s6], [sflag:$0x3], $0x30, $0x38;
	[tilespmem:$0x530] =	vst v63  }
0x3e: {  	p1 =	por p0, p1;
	s5 =	simm.s32 @!p0 $0x3  }
.Ltmp0:
0x3f: {  	_ =	swait.ge @!p0 [sflag:s5], $0x30;
	(pc) =	sbr.rel @p1 .LBB2_2-.Ltmp0, $3  }
0x40: {  	[sflag:s5] =	ssyncset.done @!p0 $0x0  }
0x41: {  	[sflag:s5] =	ssyncadd.s32 @!p0 $0xFFFFFFD0  }
0x42: {  	[bflag:$0x0] =	sbarrier.arrive @!p0 $0xFFFF;
	_ =	sdelay $0x1  }
0x43: {  	s5 =	simm.s32 $0x180;
	s30 =	simm.s32 $0x3  }
0x44: {  	[tilespmem:s5], [sflag:$0x3] =	stream.linear.gather [spmem:s4], $0x300, $0x38;
	[tilespmem:$0x530] =	vst v63  }
0x45: {  	_ =	swait.ge [sflag:s30], $0x300  }
0x46: {  	[sflag:s30] =	ssyncset.done $0x0  }
0x47: {  	[sflag:s30] =	ssyncadd.s32 $0xFFFFFD00  }
0x48: {  	v0 =	vld [tilespmem:$0x180]  }
0x49: {  	v1 =	vld [tilespmem:$0x190]  }
0x4a: {  	v2 =	vld [tilespmem:$0x1A0]  }
0x4b: {  	v3 =	vld [tilespmem:$0x1B0]  }
0x4c: {  	v4 =	vld [tilespmem:$0x1C0]  }
0x4d: {  	v5 =	vld [tilespmem:$0x1D0]  }
0x4e: {  	v6 =	vld [tilespmem:$0x1E0]  }
0x4f: {  	v7 =	vld [tilespmem:$0x1F0]  }
0x50: {  	v8 =	vld [tilespmem:$0x200]  }
0x51: {  	v9 =	vld [tilespmem:$0x210]  }
0x52: {  	v10 =	vld [tilespmem:$0x220]  }
0x53: {  	v11 =	vld [tilespmem:$0x230]  }
0x54: {  	v12 =	vld [tilespmem:$0x240]  }
0x55: {  	v13 =	vld [tilespmem:$0x250];
	v2 =	vadd.f32 $0.0e+00, v2  }
0x56: {  	v14 =	vld [tilespmem:$0x260]  }
0x57: {  	v15 =	vld [tilespmem:$0x270];
	v2 =	vadd.f32 v5, v2  }
0x58: {  	v16 =	vld [tilespmem:$0x280]  }
0x59: {  	v17 =	vld [tilespmem:$0x290];
	v2 =	vadd.f32 v8, v2  }
0x5a: {  	v18 =	vld [tilespmem:$0x2A0]  }
0x5b: {  	v19 =	vld [tilespmem:$0x2B0];
	v2 =	vadd.f32 v11, v2  }
0x5c: {  	v57 =	vld [tilespmem:$0x2C0]  }
0x5d: {  	v58 =	vld [tilespmem:$0x2D0];
	v0 =	vadd.f32 $0.0e+00, v0;
	v2 =	vadd.f32 v14, v2  }
0x5e: {  	v60 =	vld [tilespmem:$0x2F0];
	v1 =	vadd.f32 $0.0e+00, v1  }
0x5f: {  	v59 =	vld [tilespmem:$0x2E0];
	v0 =	vadd.f32 v3, v0;
	v2 =	vadd.f32 v17, v2  }
0x60: {  	v63 =	vld [tilespmem:$0x320];
	v1 =	vadd.f32 v4, v1  }
0x61: {  	v61 =	vld [tilespmem:$0x300];
	v0 =	vadd.f32 v6, v0;
	v2 =	vadd.f32 v57, v2  }
0x62: {  	v22 =	vld [tilespmem:$0x350];
	v1 =	vadd.f32 v7, v1  }
0x63: {  	v62 =	vld [tilespmem:$0x310];
	v0 =	vadd.f32 v9, v0;
	v2 =	vadd.f32 v60, v2  }
0x64: {  	v25 =	vld [tilespmem:$0x380];
	v1 =	vadd.f32 v10, v1  }
0x65: {  	v20 =	vld [tilespmem:$0x330];
	v0 =	vadd.f32 v12, v0;
	v2 =	vadd.f32 v63, v2  }
0x66: {  	v28 =	vld [tilespmem:$0x3B0];
	v1 =	vadd.f32 v13, v1  }
0x67: {  	v21 =	vld [tilespmem:$0x340];
	v0 =	vadd.f32 v15, v0;
	v2 =	vadd.f32 v22, v2  }
0x68: {  	v30 =	vld [tilespmem:$0x3E0];
	v1 =	vadd.f32 v16, v1  }
0x69: {  	v23 =	vld [tilespmem:$0x360];
	v0 =	vadd.f32 v18, v0;
	v2 =	vadd.f32 v25, v2  }
0x6a: {  	v36 =	vimm.s32 $0xEFCDAB89;
	v37 =	vimm.s32 $0x67452301;
	v32 =	vld [tilespmem:$0x410];
	v1 =	vadd.f32 v19, v1  }
0x6b: {  	v41 =	vimm.s32 $0xDCFE98BA;
	v24 =	vld [tilespmem:$0x370];
	v0 =	vadd.f32 v58, v0;
	v2 =	vadd.f32 v28, v2  }
0x6c: {  	v42 =	vimm.s32 $0x54761032;
	v46 =	vimm.s32 $0xBA98FEDC;
	v34 =	vld [tilespmem:$0x440];
	v1 =	vadd.f32 v59, v1  }
0x6d: {  	v47 =	vimm.s32 $0x32107654;
	v26 =	vld [tilespmem:$0x390];
	v0 =	vadd.f32 v61, v0;
	v2 =	vadd.f32 v30, v2  }
0x6e: {  	v38 =	vld [tilespmem:$0x470];
	v9 =	vunpack.c.l.s4.s8 v36;
	v10 =	vunpack.c.l.s4.s8 v37;
	v1 =	vadd.f32 v62, v1  }
0x6f: {  	v51 =	vimm.s32 $0xFEDCBA98;
	v27 =	vld [tilespmem:$0x3A0];
	v0 =	vadd.f32 v20, v0;
	v2 =	vadd.f32 v32, v2  }
0x70: {  	v29 =	vld [tilespmem:$0x3C0];
	v39 =	vunpack.c.0.s8.s32 v9;
	v40 =	vunpack.c.0.s8.s32 v10;
	v1 =	vadd.f32 v21, v1  }
0x71: {  	v31 =	vld [tilespmem:$0x3D0];
	v3 =	vunpack.c.l.s4.s8 v41;
	v0 =	vadd.f32 v23, v0;
	v2 =	vadd.f32 v34, v2  }
0x72: {  	v44 =	vunpack.c.l.s4.s8 v42;
	v33 =	vld [tilespmem:$0x3F0];
	v5 =	vcombine.low v40, v39;
	v1 =	vadd.f32 v24, v1  }
0x73: {  	v35 =	vld [tilespmem:$0x400];
	v3 =	vunpack.c.0.s8.s32 v3;
	v0 =	vadd.f32 v26, v0;
	v2 =	vadd.f32 v38, v2  }
0x74: {  	v43 =	vld [tilespmem:$0x420];
	v6 =	vunpack.c.0.s8.s32 v44;
	v5 =	vand.u32 $0xF, v5;
	v1 =	vadd.f32 v27, v1  }
0x75: {  	v45 =	vld [tilespmem:$0x430];
	v7 =	vunpack.c.l.s4.s8 v46;
	v0 =	vadd.f32 v29, v0;
	v48 =	vperm.xlane v2, v5  }
0x76: {  	v49 =	vld [tilespmem:$0x450];
	v8 =	vunpack.c.l.s4.s8 v47;
	v3 =	vcombine.low v6, v3;
	v1 =	vadd.f32 v31, v1  }
0x77: {  	v50 =	vld [tilespmem:$0x460];
	v7 =	vunpack.c.0.s8.s32 v7;
	v0 =	vadd.f32 v33, v0;
	v2 =	vadd.f32 v48, v2  }
0x78: {  	v8 =	vunpack.c.0.s8.s32 v8;
	v3 =	vand.u32 $0xF, v3;
	v1 =	vadd.f32 v35, v1  }
0x79: {  	v52 =	vimm.s32 $0x76543210;
	v0 =	vadd.f32 v43, v0;
	v10 =	vperm.xlane v2, v3  }
0x7a: {  	v4 =	vunpack.c.l.s4.s8 v51;
	v7 =	vcombine.low v8, v7;
	v1 =	vadd.f32 v45, v1  }
0x7b: {  	v53 =	vunpack.c.l.s4.s8 v52;
	v0 =	vadd.f32 v49, v0;
	v2 =	vadd.f32 v10, v2  }
0x7c: {  	v4 =	vunpack.c.0.s8.s32 v4;
	v7 =	vand.u32 $0xF, v7;
	v1 =	vadd.f32 v50, v1  }
0x7d: {  	v6 =	vunpack.c.0.s8.s32 v53;
	v54 =	vperm.xlane v0, v5;
	v55 =	vperm.xlane v2, v7  }
0x7e: {  	v4 =	vand.u32 $0xF, v4;
	v5 =	vperm.xlane v1, v5  }
0x7f: {  	v4 =	vcombine.low v4, v6;
	v0 =	vadd.f32 v54, v0;
	v2 =	vadd.f32 v55, v2  }
0x80: {  	v1 =	vadd.f32 v5, v1  }
0x81: {  	v56 =	vperm.xlane v0, v3;
	v6 =	vperm.xlane v2, v4  }
0x82: {  	v3 =	vperm.xlane v1, v3  }
0x83: {  	v0 =	vadd.f32 v56, v0;
	v2 =	vadd.f32 v6, v2  }
0x84: {  	v1 =	vadd.f32 v3, v1  }
0x85: {  	v57 =	vperm.xlane v0, v7;
	v58 =	vsub.f32 $1.024000000e+03, v2  }
0x86: {  	v59 =	vperm.xlane v1, v7  }
0x87: {  	v0 =	vadd.f32 v57, v0;
	v60 =	vmul.f32 v58, v2  }
0x88: {  	v1 =	vadd.f32 v59, v1  }
0x89: {  	v61 =	vperm.xlane v0, v4;
	v62 =	vmax.f32 v60, $1.000000000e+00  }
0x8a: {  	v4 =	vperm.xlane v1, v4;
	(erf) = vrcp.f32 v62;
	_ =	sdelay $0x1  }
0x8b: {  	v0 =	vadd.f32 v61, v0;
	v1 =	vadd.f32 v4, v1;
	_ =	sdelay $0x1  }
0x8c: {  	v1 =	vsub.f32 v1, v0;
	v0 =	vmul.f32 v58, v0;
	_ =	sdelay $0x1  }
0x8d: {  	v1 =	vmul.f32 v2, v1;
	v0 =	vsub.f32 v60, v0;
	_ =	sdelay $0x1  }
0x8e: {  	v0 =	vadd.f32 v0, v1  }
0x8f: {  	v63 =	vpop (erf)  }
0x90: {  	v0 =	vmul.f32 v63, v0;
	_ =	sdelay $0x1  }
0x91: {  	s31 =	simm.s32 $0x4B0;
	[tilespmem:$0x4B0] =	vst v0  }
0x92: {  	[hbm4b:s2+s3] =	stream.linear.scatter [tilespmem:s31], [sflag:$0x3], $0x80, $0x38;
	[tilespmem:$0x530] =	vst v63  }
0x93: {  	_ =	swait.ge [sflag:s30], $0x80  }
0x94: {  	[sflag:s30] =	ssyncset.done $0x0  }
0x95: {  	[sflag:s30] =	ssyncadd.s32 $0xFFFFFF80  }
.LBB2_2:
0x96: {  	_ =	sfence.sel $0x180000  }
0x97: {  	[bflag:$0x0] =	sbarrier.arrive $0xFFFF  }
0x98: {  	p0 =	sne.s32 s1, $0x0;
	_ =	strace $0x90000047  }
0x99: {  	s0 =	sadd.s32 @!p0 $0x100000, s0;
	[bflag:$0x2] =	sbarrier.arrive $0xFFFF  }
0x9a: {  	[sflag:s0] =	ssyncadd.tile.s32 @!p0 $0x1;
	_ =	shalt  }
.Lfunc_end2:
_tile_overlayer_lowered:
.L_overlay_start_2:
0x9b: {  	(tag) =	ssettag $0x2  }
0x9c: {  	s0 =	rddreg [dreg:$0x0];
	s2 =	stileid.u32  }
0x9d: {  	s1 =	rddreg [dreg:$0x1];
	p0 =	sne.s32 s2, $0x0  }
0x9e: {  	s3 =	rddreg [dreg:$0x2];
	[bflag:$0x3] =	sbarrier.arrive $0xFFFF;
	s2 =	simm.s32 @!p0 $0x1C03  }
0x9f: {  	[timem:s3], [sflag:s2] =	dma.local @!p0 [hbm:s0], s1  }
0xa0: {  	s0 =	simm.s32 @!p0 $0x3  }
0xa1: {  	_ =	swait.ge @!p0 [sflag:s0], s1  }
0xa2: {  	s1 =	ssub.s32 @!p0 $0x0, s1;
	[sflag:s0] =	ssyncset.done @!p0 $0x0  }
0xa3: {  	[sflag:s0] =	ssyncadd.s32 @!p0 s1  }
0xa4: {  	[bflag:$0x3] =	sbarrier.arrive $0xFFFF  }
0xa5: {  	_ =	shalt  }

</sc_bundles>
